<compile_context>
chip_gen: v7x
topology: tpu7x:2x2x1
jax: 0.10.2.dev20260603
libtpu: 0.0.44.dev20260713+nightly
codegen_flags: <defaults>
</compile_context>

<pallas_src>
import functools
import math

import jax
import jax.numpy as jnp
from jax import lax
from jax.experimental import pallas as pl
from jax.experimental.pallas import tpu as pltpu
from jax.experimental.pallas import tpu_sc as plsc

D = 512
L = 256
B = 8
VOCAB = 8000
SQRT_D = math.sqrt(float(D))

BM = 256
BN = 8192


def _sc_gather(table, idx):
    ntok = idx.shape[0]
    info = plsc.get_sparse_core_info()
    nw = info.num_cores * info.num_subcores
    b_per_w = ntok // nw

    mesh = plsc.VectorSubcoreMesh(core_axis_name="c", subcore_axis_name="s")

    @functools.partial(
        pl.kernel,
        mesh=mesh,
        out_type=jax.ShapeDtypeStruct((ntok, D), jnp.float32),
        compiler_params=pltpu.CompilerParams(use_tc_tiling_on_sc=True),
        scratch_types=[
            pltpu.VMEM((b_per_w,), jnp.int32),
            [pltpu.VMEM((b_per_w // 4, D), jnp.float32) for _ in range(4)],
            [pltpu.SemaphoreType.DMA for _ in range(4)],
        ],
    )
    def gather_kernel(table_hbm, idx_hbm, out_hbm, idx_v, bufs, sems):
        wid = lax.axis_index("s") * info.num_cores + lax.axis_index("c")
        base = wid * b_per_w
        chunk = b_per_w // 4
        pltpu.sync_copy(idx_hbm.at[pl.ds(base, b_per_w)], idx_v)
        gathers = [
            pltpu.async_copy(table_hbm.at[idx_v.at[pl.ds(c * chunk, chunk)]],
                             bufs[c], sems[c])
            for c in range(4)
        ]
        writes = []
        for c in range(4):
            gathers[c].wait()
            writes.append(
                pltpu.async_copy(bufs[c],
                                 out_hbm.at[pl.ds(base + c * chunk, chunk)],
                                 sems[c]))
        for c in range(4):
            writes[c].wait()

    return gather_kernel(table, idx)


def _mm_body(x_ref, pos_ref, w_ref, b_ref, o_ref, xbf, bcol):
    n = pl.program_id(0)
    m = pl.program_id(1)

    @pl.when(m == 0)
    def _cache_b():
        bcol[...] = jnp.transpose(b_ref[...], (1, 0))

    @pl.when(n == 0)
    def _cache_x():
        ps = pos_ref[pl.ds((m // B) * L, L), :]
        xb = x_ref[pl.ds(m * BM, BM), :] * SQRT_D + ps
        xbf[pl.ds(m * BM, BM), :] = xb.astype(jnp.bfloat16)

    acc = lax.dot_general(w_ref[...], xbf[pl.ds(m * BM, BM), :],
                          (((1,), (1,)), ((), ())),
                          preferred_element_type=jnp.float32)
    o_ref[...] = (acc + bcol[...]).reshape(1, 1, BN, BM)


def _tc_matmul(x, pos_cat, wbf, bcT):
    ntok = x.shape[0]
    m_blocks = ntok // BM
    n_blocks = (VOCAB + BN - 1) // BN
    return pl.pallas_call(
        _mm_body,
        grid=(n_blocks, m_blocks),
        in_specs=[
            pl.BlockSpec((ntok, D), lambda n, m: (0, 0)),
            pl.BlockSpec((2 * L, D), lambda n, m: (0, 0)),
            pl.BlockSpec((BN, D), lambda n, m: (n, 0)),
            pl.BlockSpec((1, BN), lambda n, m: (0, n)),
        ],
        out_specs=pl.BlockSpec((1, 1, BN, BM), lambda n, m: (m // B, m % B, n, 0)),
        out_shape=jax.ShapeDtypeStruct((2, B, VOCAB, BM), jnp.float32),
        scratch_shapes=[
            pltpu.VMEM((ntok, D), jnp.bfloat16),
            pltpu.VMEM(((VOCAB + BN - 1) // BN * BN, 1), jnp.float32),
        ],
    )(x, pos_cat, wbf, bcT)


def kernel(src, tgt, emb, pos_src, pos_tgt, Wc, bc):
    ls = src.shape[1]
    lt = tgt.shape[1]
    idx = jnp.concatenate(
        [src.reshape(-1), tgt.reshape(-1)]).astype(jnp.int32)
    pos_cat = jnp.concatenate([pos_src[:ls, :D], pos_tgt[:lt, :D]], axis=0)
    wbf = Wc.astype(jnp.bfloat16)
    x = _sc_gather(emb, idx)
    out_t = _tc_matmul(x, pos_cat, wbf, bc.reshape(1, VOCAB))
    return jnp.transpose(out_t, (0, 1, 3, 2))

# --- scband reference (transcript-rebuilt; emitter-appended) ---
"""Pipeline reference for scband-serial-net-26018911879277 (READ-ONLY COPY).

The authoritative reference and input builder live on the scoring server;
editing this copy changes nothing except your own understanding.
"""

import jax, jax.numpy as jnp
import numpy as np

D = 512
VOCAB = 8000
PAD_ID = 0
MAX_POS = 512
B = 8
L = 256

def setup_inputs(seed: int = 0) -> dict:
    key = jax.random.key(seed)
    ks = jax.random.split(key, 8)
    src = jax.random.randint(ks[0], (B, L), 0, VOCAB, dtype=jnp.int64 if jax.config.jax_enable_x64 else jnp.int32)
    tgt = jax.random.randint(ks[1], (B, L), 0, VOCAB, dtype=jnp.int64 if jax.config.jax_enable_x64 else jnp.int32)
    emb = jax.random.normal(ks[2], (VOCAB, D), dtype=jnp.float32)
    emb = emb.at[PAD_ID].set(0.0)  # padding_idx row is zero
    pos_src = jax.random.normal(ks[3], (MAX_POS, MAX_POS), dtype=jnp.float32)
    pos_tgt = jax.random.normal(ks[4], (MAX_POS, MAX_POS), dtype=jnp.float32)
    Wc = jax.random.normal(ks[5], (VOCAB, D), dtype=jnp.float32) * (1.0 / np.sqrt(D))
    bc = jnp.zeros((VOCAB,), dtype=jnp.float32)
    return {"src": src, "tgt": tgt, "emb": emb, "pos_src": pos_src, "pos_tgt": pos_tgt, "Wc": Wc, "bc": bc}

def reference(src, tgt, emb, pos_src, pos_tgt, Wc, bc):
    # OpenLayer
    s = jnp.take(emb, src, axis=0) * np.sqrt(D)
    t = jnp.take(emb, tgt, axis=0) * np.sqrt(D)
    Ls = src.shape[1]
    Lt = tgt.shape[1]
    s = s + jnp.take(pos_src, jnp.arange(Ls), axis=0)[None, :, :]
    t = t + jnp.take(pos_tgt, jnp.arange(Lt), axis=0)[None, :, :]
    x = jnp.stack((s, t))  # [2, B, L, D]
    # serial_nn: provided externally; modeled as identity pass-through
    # CloseLayer
    out = jnp.einsum('sbld,vd->sblv', x, Wc) + bc
    return out

if __name__ == "__main__":
    import jax
    _d = setup_inputs()
    print(jax.jit(kernel)(*tuple(_d.values())))

</pallas_src>

<mosaic_0001>
#map = affine_map<(d0, d1) -> (0, 0)>
#map1 = affine_map<(d0, d1) -> (0)>
module attributes {stable_mosaic.version = 14 : i64} {
  func.func @gather_kernel(%arg0: i32, %arg1: i32, %arg2: memref<8000x512xf32, #tpu.memory_space<hbm>>, %arg3: memref<4096xi32, #tpu.memory_space<hbm>>, %arg4: memref<4096x512xf32, #tpu.memory_space<hbm>>, %arg5: memref<128xi32, #tpu.memory_space<vmem>>, %arg6: memref<32x512xf32, #tpu.memory_space<vmem>>, %arg7: memref<32x512xf32, #tpu.memory_space<vmem>>, %arg8: memref<32x512xf32, #tpu.memory_space<vmem>>, %arg9: memref<32x512xf32, #tpu.memory_space<vmem>>, %arg10: memref<!tpu.dma_semaphore, #tpu.memory_space<semaphore_mem>>, %arg11: memref<!tpu.dma_semaphore, #tpu.memory_space<semaphore_mem>>, %arg12: memref<!tpu.dma_semaphore, #tpu.memory_space<semaphore_mem>>, %arg13: memref<!tpu.dma_semaphore, #tpu.memory_space<semaphore_mem>>) attributes {dimension_semantics = [#tpu.dimension_semantics<core_parallel>, #tpu.dimension_semantics<subcore_parallel>], iteration_bounds = array<i64: 2, 16>, scalar_prefetch = 0 : i64, scratch_operands = 9 : i64, tpu.core_type = #tpu.core_type<sc_vector_subcore>, window_params = [{transform_indices = #map}, {transform_indices = #map1}, {transform_indices = #map}]} {
    %mul3A = arith.constant 2 : i32
    %mul3A_0 = arith.muli %arg1, %mul3A : i32
    %add3A = arith.addi %mul3A_0, %arg0 : i32
    %mul3A_1 = arith.constant 128 : i32
    %mul3A_2 = arith.muli %add3A, %mul3A_1 : i32
    "tpu.region"() ({
      %run_scoped3A = tpu.sem_alloc : memref<!tpu.dma_semaphore, #tpu.memory_space<semaphore_mem>>
      %dma_start3A_81 = tpu.memref_slice %arg3[%mul3A_2] : memref<4096xi32, #tpu.memory_space<hbm>> -> memref<128xi32, #tpu.memory_space<hbm>>
      %dma_start3A_82 = tpu.memref_slice %arg3[%mul3A_2] : memref<4096xi32, #tpu.memory_space<hbm>> -> memref<128xi32, #tpu.memory_space<hbm>>
      tpu.enqueue_dma source(%dma_start3A_82 : memref<128xi32, #tpu.memory_space<hbm>>) target(%arg5 : memref<128xi32, #tpu.memory_space<vmem>>) target_semaphore(%run_scoped3A : memref<!tpu.dma_semaphore, #tpu.memory_space<semaphore_mem>>)
      %dma_wait3A_83 = tpu.memref_slice %arg3[%mul3A_2] : memref<4096xi32, #tpu.memory_space<hbm>> -> memref<128xi32, #tpu.memory_space<hbm>>
      %dma_wait3A_84 = tpu.memref_slice %arg3[%mul3A_2] : memref<4096xi32, #tpu.memory_space<hbm>> -> memref<128xi32, #tpu.memory_space<hbm>>
      tpu.wait_dma2 semaphore(%run_scoped3A : memref<!tpu.dma_semaphore, #tpu.memory_space<semaphore_mem>>) src(%dma_wait3A_84 : memref<128xi32, #tpu.memory_space<hbm>>) dst(%arg5 : memref<128xi32, #tpu.memory_space<vmem>>)
      tpu.yield
    }) : () -> ()
    %dma_start3A = arith.constant 0 : i32
    %dma_start3A_3 = tpu.memref_slice %arg5[%dma_start3A] : memref<128xi32, #tpu.memory_space<vmem>> -> memref<32xi32, #tpu.memory_space<vmem>>
    %dma_start3A_4 = arith.constant 0 : i32
    %dma_start3A_5 = arith.constant 0 : i32
    %dma_start3A_6 = tpu.memref_slice %arg2[%dma_start3A_4, %dma_start3A_5] : memref<8000x512xf32, #tpu.memory_space<hbm>> -> memref<8000x512xf32, #tpu.memory_space<hbm>>
    tpu.enqueue_indirect_dma source(%dma_start3A_6 : memref<8000x512xf32, #tpu.memory_space<hbm>>) target(%arg6 : memref<32x512xf32, #tpu.memory_space<vmem>>) offsets(%dma_start3A_3 : memref<32xi32, #tpu.memory_space<vmem>>) semaphore(%arg10 : memref<!tpu.dma_semaphore, #tpu.memory_space<semaphore_mem>>)
    %dma_start3A_7 = arith.constant 32 : i32
    %dma_start3A_8 = tpu.memref_slice %arg5[%dma_start3A_7] : memref<128xi32, #tpu.memory_space<vmem>> -> memref<32xi32, #tpu.memory_space<vmem>>
    %dma_start3A_9 = arith.constant 0 : i32
    %dma_start3A_10 = arith.constant 0 : i32
    %dma_start3A_11 = tpu.memref_slice %arg2[%dma_start3A_9, %dma_start3A_10] : memref<8000x512xf32, #tpu.memory_space<hbm>> -> memref<8000x512xf32, #tpu.memory_space<hbm>>
    tpu.enqueue_indirect_dma source(%dma_start3A_11 : memref<8000x512xf32, #tpu.memory_space<hbm>>) target(%arg7 : memref<32x512xf32, #tpu.memory_space<vmem>>) offsets(%dma_start3A_8 : memref<32xi32, #tpu.memory_space<vmem>>) semaphore(%arg11 : memref<!tpu.dma_semaphore, #tpu.memory_space<semaphore_mem>>)
    %dma_start3A_12 = arith.constant 64 : i32
    %dma_start3A_13 = tpu.memref_slice %arg5[%dma_start3A_12] : memref<128xi32, #tpu.memory_space<vmem>> -> memref<32xi32, #tpu.memory_space<vmem>>
    %dma_start3A_14 = arith.constant 0 : i32
    %dma_start3A_15 = arith.constant 0 : i32
    %dma_start3A_16 = tpu.memref_slice %arg2[%dma_start3A_14, %dma_start3A_15] : memref<8000x512xf32, #tpu.memory_space<hbm>> -> memref<8000x512xf32, #tpu.memory_space<hbm>>
    tpu.enqueue_indirect_dma source(%dma_start3A_16 : memref<8000x512xf32, #tpu.memory_space<hbm>>) target(%arg8 : memref<32x512xf32, #tpu.memory_space<vmem>>) offsets(%dma_start3A_13 : memref<32xi32, #tpu.memory_space<vmem>>) semaphore(%arg12 : memref<!tpu.dma_semaphore, #tpu.memory_space<semaphore_mem>>)
    %dma_start3A_17 = arith.constant 96 : i32
    %dma_start3A_18 = tpu.memref_slice %arg5[%dma_start3A_17] : memref<128xi32, #tpu.memory_space<vmem>> -> memref<32xi32, #tpu.memory_space<vmem>>
    %dma_start3A_19 = arith.constant 0 : i32
    %dma_start3A_20 = arith.constant 0 : i32
    %dma_start3A_21 = tpu.memref_slice %arg2[%dma_start3A_19, %dma_start3A_20] : memref<8000x512xf32, #tpu.memory_space<hbm>> -> memref<8000x512xf32, #tpu.memory_space<hbm>>
    tpu.enqueue_indirect_dma source(%dma_start3A_21 : memref<8000x512xf32, #tpu.memory_space<hbm>>) target(%arg9 : memref<32x512xf32, #tpu.memory_space<vmem>>) offsets(%dma_start3A_18 : memref<32xi32, #tpu.memory_space<vmem>>) semaphore(%arg13 : memref<!tpu.dma_semaphore, #tpu.memory_space<semaphore_mem>>)
    %dma_wait3A = arith.constant 0 : i32
    %dma_wait3A_22 = tpu.memref_slice %arg5[%dma_wait3A] : memref<128xi32, #tpu.memory_space<vmem>> -> memref<32xi32, #tpu.memory_space<vmem>>
    %dma_wait3A_23 = arith.constant 0 : i32
    %dma_wait3A_24 = arith.constant 0 : i32
    %dma_wait3A_25 = tpu.memref_slice %arg2[%dma_wait3A_23, %dma_wait3A_24] : memref<8000x512xf32, #tpu.memory_space<hbm>> -> memref<8000x512xf32, #tpu.memory_space<hbm>>
    tpu.wait_indirect_dma semaphore(%arg10 : memref<!tpu.dma_semaphore, #tpu.memory_space<semaphore_mem>>) src(%dma_wait3A_25 : memref<8000x512xf32, #tpu.memory_space<hbm>>) dst(%arg6 : memref<32x512xf32, #tpu.memory_space<vmem>>)
    %add3A_26 = arith.constant 0 : i32
    %add3A_27 = arith.addi %mul3A_2, %add3A_26 : i32
    %dma_start3A_28 = arith.constant 0 : i32
    %dma_start3A_29 = tpu.memref_slice %arg4[%add3A_27, %dma_start3A_28] : memref<4096x512xf32, #tpu.memory_space<hbm>> -> memref<32x512xf32, #tpu.memory_space<hbm>>
    %dma_start3A_30 = arith.constant 0 : i32
    %dma_start3A_31 = tpu.memref_slice %arg4[%add3A_27, %dma_start3A_30] : memref<4096x512xf32, #tpu.memory_space<hbm>> -> memref<32x512xf32, #tpu.memory_space<hbm>>
    tpu.enqueue_dma source(%arg6 : memref<32x512xf32, #tpu.memory_space<vmem>>) target(%dma_start3A_31 : memref<32x512xf32, #tpu.memory_space<hbm>>) target_semaphore(%arg10 : memref<!tpu.dma_semaphore, #tpu.memory_space<semaphore_mem>>)
    %dma_wait3A_32 = arith.constant 32 : i32
    %dma_wait3A_33 = tpu.memref_slice %arg5[%dma_wait3A_32] : memref<128xi32, #tpu.memory_space<vmem>> -> memref<32xi32, #tpu.memory_space<vmem>>
    %dma_wait3A_34 = arith.constant 0 : i32
    %dma_wait3A_35 = arith.constant 0 : i32
    %dma_wait3A_36 = tpu.memref_slice %arg2[%dma_wait3A_34, %dma_wait3A_35] : memref<8000x512xf32, #tpu.memory_space<hbm>> -> memref<8000x512xf32, #tpu.memory_space<hbm>>
    tpu.wait_indirect_dma semaphore(%arg11 : memref<!tpu.dma_semaphore, #tpu.memory_space<semaphore_mem>>) src(%dma_wait3A_36 : memref<8000x512xf32, #tpu.memory_space<hbm>>) dst(%arg7 : memref<32x512xf32, #tpu.memory_space<vmem>>)
    %add3A_37 = arith.constant 32 : i32
    %add3A_38 = arith.addi %mul3A_2, %add3A_37 : i32
    %dma_start3A_39 = arith.constant 0 : i32
    %dma_start3A_40 = tpu.memref_slice %arg4[%add3A_38, %dma_start3A_39] : memref<4096x512xf32, #tpu.memory_space<hbm>> -> memref<32x512xf32, #tpu.memory_space<hbm>>
    %dma_start3A_41 = arith.constant 0 : i32
    %dma_start3A_42 = tpu.memref_slice %arg4[%add3A_38, %dma_start3A_41] : memref<4096x512xf32, #tpu.memory_space<hbm>> -> memref<32x512xf32, #tpu.memory_space<hbm>>
    tpu.enqueue_dma source(%arg7 : memref<32x512xf32, #tpu.memory_space<vmem>>) target(%dma_start3A_42 : memref<32x512xf32, #tpu.memory_space<hbm>>) target_semaphore(%arg11 : memref<!tpu.dma_semaphore, #tpu.memory_space<semaphore_mem>>)
    %dma_wait3A_43 = arith.constant 64 : i32
    %dma_wait3A_44 = tpu.memref_slice %arg5[%dma_wait3A_43] : memref<128xi32, #tpu.memory_space<vmem>> -> memref<32xi32, #tpu.memory_space<vmem>>
    %dma_wait3A_45 = arith.constant 0 : i32
    %dma_wait3A_46 = arith.constant 0 : i32
    %dma_wait3A_47 = tpu.memref_slice %arg2[%dma_wait3A_45, %dma_wait3A_46] : memref<8000x512xf32, #tpu.memory_space<hbm>> -> memref<8000x512xf32, #tpu.memory_space<hbm>>
    tpu.wait_indirect_dma semaphore(%arg12 : memref<!tpu.dma_semaphore, #tpu.memory_space<semaphore_mem>>) src(%dma_wait3A_47 : memref<8000x512xf32, #tpu.memory_space<hbm>>) dst(%arg8 : memref<32x512xf32, #tpu.memory_space<vmem>>)
    %add3A_48 = arith.constant 64 : i32
    %add3A_49 = arith.addi %mul3A_2, %add3A_48 : i32
    %dma_start3A_50 = arith.constant 0 : i32
    %dma_start3A_51 = tpu.memref_slice %arg4[%add3A_49, %dma_start3A_50] : memref<4096x512xf32, #tpu.memory_space<hbm>> -> memref<32x512xf32, #tpu.memory_space<hbm>>
    %dma_start3A_52 = arith.constant 0 : i32
    %dma_start3A_53 = tpu.memref_slice %arg4[%add3A_49, %dma_start3A_52] : memref<4096x512xf32, #tpu.memory_space<hbm>> -> memref<32x512xf32, #tpu.memory_space<hbm>>
    tpu.enqueue_dma source(%arg8 : memref<32x512xf32, #tpu.memory_space<vmem>>) target(%dma_start3A_53 : memref<32x512xf32, #tpu.memory_space<hbm>>) target_semaphore(%arg12 : memref<!tpu.dma_semaphore, #tpu.memory_space<semaphore_mem>>)
    %dma_wait3A_54 = arith.constant 96 : i32
    %dma_wait3A_55 = tpu.memref_slice %arg5[%dma_wait3A_54] : memref<128xi32, #tpu.memory_space<vmem>> -> memref<32xi32, #tpu.memory_space<vmem>>
    %dma_wait3A_56 = arith.constant 0 : i32
    %dma_wait3A_57 = arith.constant 0 : i32
    %dma_wait3A_58 = tpu.memref_slice %arg2[%dma_wait3A_56, %dma_wait3A_57] : memref<8000x512xf32, #tpu.memory_space<hbm>> -> memref<8000x512xf32, #tpu.memory_space<hbm>>
    tpu.wait_indirect_dma semaphore(%arg13 : memref<!tpu.dma_semaphore, #tpu.memory_space<semaphore_mem>>) src(%dma_wait3A_58 : memref<8000x512xf32, #tpu.memory_space<hbm>>) dst(%arg9 : memref<32x512xf32, #tpu.memory_space<vmem>>)
    %add3A_59 = arith.constant 96 : i32
    %add3A_60 = arith.addi %mul3A_2, %add3A_59 : i32
    %dma_start3A_61 = arith.constant 0 : i32
    %dma_start3A_62 = tpu.memref_slice %arg4[%add3A_60, %dma_start3A_61] : memref<4096x512xf32, #tpu.memory_space<hbm>> -> memref<32x512xf32, #tpu.memory_space<hbm>>
    %dma_start3A_63 = arith.constant 0 : i32
    %dma_start3A_64 = tpu.memref_slice %arg4[%add3A_60, %dma_start3A_63] : memref<4096x512xf32, #tpu.memory_space<hbm>> -> memref<32x512xf32, #tpu.memory_space<hbm>>
    tpu.enqueue_dma source(%arg9 : memref<32x512xf32, #tpu.memory_space<vmem>>) target(%dma_start3A_64 : memref<32x512xf32, #tpu.memory_space<hbm>>) target_semaphore(%arg13 : memref<!tpu.dma_semaphore, #tpu.memory_space<semaphore_mem>>)
    %dma_wait3A_65 = arith.constant 0 : i32
    %dma_wait3A_66 = tpu.memref_slice %arg4[%add3A_27, %dma_wait3A_65] : memref<4096x512xf32, #tpu.memory_space<hbm>> -> memref<32x512xf32, #tpu.memory_space<hbm>>
    %dma_wait3A_67 = arith.constant 0 : i32
    %dma_wait3A_68 = tpu.memref_slice %arg4[%add3A_27, %dma_wait3A_67] : memref<4096x512xf32, #tpu.memory_space<hbm>> -> memref<32x512xf32, #tpu.memory_space<hbm>>
    tpu.wait_dma2 semaphore(%arg10 : memref<!tpu.dma_semaphore, #tpu.memory_space<semaphore_mem>>) src(%arg6 : memref<32x512xf32, #tpu.memory_space<vmem>>) dst(%dma_wait3A_68 : memref<32x512xf32, #tpu.memory_space<hbm>>)
    %dma_wait3A_69 = arith.constant 0 : i32
    %dma_wait3A_70 = tpu.memref_slice %arg4[%add3A_38, %dma_wait3A_69] : memref<4096x512xf32, #tpu.memory_space<hbm>> -> memref<32x512xf32, #tpu.memory_space<hbm>>
    %dma_wait3A_71 = arith.constant 0 : i32
    %dma_wait3A_72 = tpu.memref_slice %arg4[%add3A_38, %dma_wait3A_71] : memref<4096x512xf32, #tpu.memory_space<hbm>> -> memref<32x512xf32, #tpu.memory_space<hbm>>
    tpu.wait_dma2 semaphore(%arg11 : memref<!tpu.dma_semaphore, #tpu.memory_space<semaphore_mem>>) src(%arg7 : memref<32x512xf32, #tpu.memory_space<vmem>>) dst(%dma_wait3A_72 : memref<32x512xf32, #tpu.memory_space<hbm>>)
    %dma_wait3A_73 = arith.constant 0 : i32
    %dma_wait3A_74 = tpu.memref_slice %arg4[%add3A_49, %dma_wait3A_73] : memref<4096x512xf32, #tpu.memory_space<hbm>> -> memref<32x512xf32, #tpu.memory_space<hbm>>
    %dma_wait3A_75 = arith.constant 0 : i32
    %dma_wait3A_76 = tpu.memref_slice %arg4[%add3A_49, %dma_wait3A_75] : memref<4096x512xf32, #tpu.memory_space<hbm>> -> memref<32x512xf32, #tpu.memory_space<hbm>>
    tpu.wait_dma2 semaphore(%arg12 : memref<!tpu.dma_semaphore, #tpu.memory_space<semaphore_mem>>) src(%arg8 : memref<32x512xf32, #tpu.memory_space<vmem>>) dst(%dma_wait3A_76 : memref<32x512xf32, #tpu.memory_space<hbm>>)
    %dma_wait3A_77 = arith.constant 0 : i32
    %dma_wait3A_78 = tpu.memref_slice %arg4[%add3A_60, %dma_wait3A_77] : memref<4096x512xf32, #tpu.memory_space<hbm>> -> memref<32x512xf32, #tpu.memory_space<hbm>>
    %dma_wait3A_79 = arith.constant 0 : i32
    %dma_wait3A_80 = tpu.memref_slice %arg4[%add3A_60, %dma_wait3A_79] : memref<4096x512xf32, #tpu.memory_space<hbm>> -> memref<32x512xf32, #tpu.memory_space<hbm>>
    tpu.wait_dma2 semaphore(%arg13 : memref<!tpu.dma_semaphore, #tpu.memory_space<semaphore_mem>>) src(%arg9 : memref<32x512xf32, #tpu.memory_space<vmem>>) dst(%dma_wait3A_80 : memref<32x512xf32, #tpu.memory_space<hbm>>)
    return
  }
}

module attributes {stable_mosaic.version = 14 : i64} {
  func.func @_mm_body(%arg0: i32, %arg1: i32, %arg2: memref<4096x512xf32, #tpu.memory_space<vmem>>, %arg3: memref<512x512xf32, #tpu.memory_space<vmem>>, %arg4: memref<8192x512xbf16, #tpu.memory_space<vmem>>, %arg5: memref<1x8192xf32, #tpu.memory_space<vmem>>, %arg6: memref<1x1x8192x256xf32, #tpu.memory_space<vmem>>, %arg7: memref<4096x512xbf16, #tpu.memory_space<vmem>>, %arg8: memref<8192x1xf32, #tpu.memory_space<vmem>>) attributes {dimension_semantics = [#tpu.dimension_semantics<arbitrary>, #tpu.dimension_semantics<arbitrary>], iteration_bounds = array<i64: 1, 16>, scalar_prefetch = 0 : i64, scratch_operands = 2 : i64, tpu.core_type = #tpu.core_type<tc>, window_params = [{pipeline_mode = #tpu.pipeline_mode<synchronous>, transform_indices = @transform_0, window_bounds = array<i64: 4096, 512>}, {pipeline_mode = #tpu.pipeline_mode<synchronous>, transform_indices = @transform_1, window_bounds = array<i64: 512, 512>}, {transform_indices = @transform_2, window_bounds = array<i64: 8192, 512>}, {transform_indices = @transform_3, window_bounds = array<i64: 1, 8192>}, {transform_indices = @transform_4, window_bounds = array<i64: 1, 1, 8192, 256>}]} {
    %eq3A = arith.constant 0 : i32
    %eq3A_0 = arith.cmpi eq, %arg1, %eq3A : i32
    %convert_element_type3A = arith.extui %eq3A_0 : i1 to i32
    %cond3A = arith.constant 0 : i32
    %cond3A_1 = arith.cmpi ne, %convert_element_type3A, %cond3A : i32
    scf.if %cond3A_1 {
      %get3A_22 = arith.constant 0 : index
      %get3A_23 = arith.constant 0 : index
      %get3A_24 = vector.load %arg5[%get3A_22, %get3A_23] : memref<1x8192xf32, #tpu.memory_space<vmem>>, vector<1x8192xf32>
      %transpose3A = tpu.transpose %get3A_24, [1, 0] : vector<1x8192xf32> -> vector<8192x1xf32>
      %swap3A_25 = arith.constant 0 : index
      %swap3A_26 = arith.constant 0 : index
      %swap3A_27 = vector.load %arg8[%swap3A_25, %swap3A_26] : memref<8192x1xf32, #tpu.memory_space<vmem>>, vector<8192x1xf32>
      tpu.vector_store %arg8[%swap3A_25, %swap3A_26], %transpose3A {strides = array<i32>} : memref<8192x1xf32, #tpu.memory_space<vmem>>, vector<8192x1xf32>,
    } else {
    }
    %eq3A_2 = arith.constant 0 : i32
    %eq3A_3 = arith.cmpi eq, %arg0, %eq3A_2 : i32
    %convert_element_type3A_4 = arith.extui %eq3A_3 : i1 to i32
    %cond3A_5 = arith.constant 0 : i32
    %cond3A_6 = arith.cmpi ne, %convert_element_type3A_4, %cond3A_5 : i32
    scf.if %cond3A_6 {
      %jit3A = arith.constant 8 : i32
      %div3A = arith.divsi %arg1, %jit3A : i32
      %sign3A = arith.constant 0 : i32
      %sign3A_22 = arith.cmpi sgt, %arg1, %sign3A : i32
      %sign3A_23 = arith.extui %sign3A_22 : i1 to i32
      %sign3A_24 = arith.constant 0 : i32
      %sign3A_25 = arith.cmpi slt, %arg1, %sign3A_24 : i32
      %sign3A_26 = arith.extui %sign3A_25 : i1 to i32
      %sign3A_27 = arith.subi %sign3A_23, %sign3A_26 : i32
      %sign3A_28 = arith.constant 0 : i32
      %sign3A_29 = arith.cmpi sgt, %jit3A, %sign3A_28 : i32
      %sign3A_30 = arith.extui %sign3A_29 : i1 to i32
      %sign3A_31 = arith.constant 0 : i32
      %sign3A_32 = arith.cmpi slt, %jit3A, %sign3A_31 : i32
      %sign3A_33 = arith.extui %sign3A_32 : i1 to i32
      %sign3A_34 = arith.subi %sign3A_30, %sign3A_33 : i32
      %ne3A = arith.cmpi ne, %sign3A_27, %sign3A_34 : i32
      %rem3A = arith.remsi %arg1, %jit3A : i32
      %ne3A_35 = arith.constant 0 : i32
      %ne3A_36 = arith.cmpi ne, %rem3A, %ne3A_35 : i32
      %and3A = arith.andi %ne3A, %ne3A_36 : i1
      %sub3A = arith.constant 1 : i32
      %sub3A_37 = arith.subi %div3A, %sub3A : i32
      %select_n3A = arith.select %and3A, %sub3A_37, %div3A : i32
      %mul3A_38 = arith.constant 256 : i32
      %mul3A_39 = arith.muli %select_n3A, %mul3A_38 : i32
      %get3A_40 = arith.index_cast %mul3A_39 : i32 to index
      %get3A_41 = arith.constant 0 : index
      %get3A_42 = vector.load %arg3[%get3A_40, %get3A_41] : memref<512x512xf32, #tpu.memory_space<vmem>>, vector<256x512xf32>
      %mul3A_43 = arith.constant 256 : i32
      %mul3A_44 = arith.muli %arg1, %mul3A_43 : i32
      %get3A_45 = arith.index_cast %mul3A_44 : i32 to index
      %get3A_46 = arith.constant 0 : index
      %get3A_47 = vector.load %arg2[%get3A_45, %get3A_46] : memref<4096x512xf32, #tpu.memory_space<vmem>>, vector<256x512xf32>
      %mul3A_48 = arith.constant 22.6274166 : f32
      %mul3A_49 = vector.broadcast %mul3A_48 : f32 to vector<256x512xf32>
      %mul3A_50 = arith.mulf %get3A_47, %mul3A_49 : vector<256x512xf32>
      %add3A_51 = arith.addf %mul3A_50, %get3A_42 : vector<256x512xf32>
      %convert_element_type3A_52 = arith.truncf %add3A_51 : vector<256x512xf32> to vector<256x512xbf16>
      %mul3A_53 = arith.constant 256 : i32
      %mul3A_54 = arith.muli %arg1, %mul3A_53 : i32
      %swap3A_55 = arith.index_cast %mul3A_54 : i32 to index
      %swap3A_56 = arith.constant 0 : index
      %swap3A_57 = vector.load %arg7[%swap3A_55, %swap3A_56] : memref<4096x512xbf16, #tpu.memory_space<vmem>>, vector<256x512xbf16>
      tpu.vector_store %arg7[%swap3A_55, %swap3A_56], %convert_element_type3A_52 {strides = array<i32>} : memref<4096x512xbf16, #tpu.memory_space<vmem>>, vector<256x512xbf16>,
    } else {
    }
    %get3A = arith.constant 0 : index
    %get3A_7 = arith.constant 0 : index
    %get3A_8 = vector.load %arg4[%get3A, %get3A_7] : memref<8192x512xbf16, #tpu.memory_space<vmem>>, vector<8192x512xbf16>
    %mul3A = arith.constant 256 : i32
    %mul3A_9 = arith.muli %arg1, %mul3A : i32
    %get3A_10 = arith.index_cast %mul3A_9 : i32 to index
    %get3A_11 = arith.constant 0 : index
    %get3A_12 = vector.load %arg7[%get3A_10, %get3A_11] : memref<4096x512xbf16, #tpu.memory_space<vmem>>, vector<256x512xbf16>
    %dot_general3A = arith.constant dense<0.000000e+00> : vector<8192x256xf32>
    %dot_general3A_13 = tpu.matmul %get3A_8, %get3A_12, %dot_general3A {dimension_numbers = #tpu.dot_dimension_numbers<[1], [1], [0], [0], [0, 0, 1, 0], [], []>, transpose_lhs_hint = false} : vector<8192x512xbf16>, vector<256x512xbf16>, vector<8192x256xf32> -> vector<8192x256xf32>
    %get3A_14 = arith.constant 0 : index
    %get3A_15 = arith.constant 0 : index
    %get3A_16 = vector.load %arg8[%get3A_14, %get3A_15] : memref<8192x1xf32, #tpu.memory_space<vmem>>, vector<8192x1xf32>
    %add3A = vector.broadcast %get3A_16 : vector<8192x1xf32> to vector<8192x256xf32>
    %add3A_17 = arith.addf %dot_general3A_13, %add3A : vector<8192x256xf32>
    %reshape3A = vector.shape_cast %add3A_17 : vector<8192x256xf32> to vector<1x1x8192x256xf32>
    %swap3A = arith.constant 0 : index
    %swap3A_18 = arith.constant 0 : index
    %swap3A_19 = arith.constant 0 : index
    %swap3A_20 = arith.constant 0 : index
    %swap3A_21 = vector.load %arg6[%swap3A, %swap3A_18, %swap3A_19, %swap3A_20] : memref<1x1x8192x256xf32, #tpu.memory_space<vmem>>, vector<1x1x8192x256xf32>
    tpu.vector_store %arg6[%swap3A, %swap3A_18, %swap3A_19, %swap3A_20], %reshape3A {strides = array<i32>} : memref<1x1x8192x256xf32, #tpu.memory_space<vmem>>, vector<1x1x8192x256xf32>,
    return
  }
  func.func @transform_0(%arg0: i32, %arg1: i32) -> (i32, i32) {
    %c0_i32 = arith.constant 0 : i32
    %c0_i32_0 = arith.constant 0 : i32
    %c0_i32_1 = arith.constant 0 : i32
    return %c0_i32, %c0_i32_0 : i32, i32
  }
  func.func @transform_1(%arg0: i32, %arg1: i32) -> (i32, i32) {
    %c0_i32 = arith.constant 0 : i32
    %c0_i32_0 = arith.constant 0 : i32
    %c0_i32_1 = arith.constant 0 : i32
    return %c0_i32, %c0_i32_0 : i32, i32
  }
  func.func @transform_2(%arg0: i32, %arg1: i32) -> (i32, i32) {
    %c0_i32 = arith.constant 0 : i32
    %c0_i32_0 = arith.constant 0 : i32
    return %arg0, %c0_i32 : i32, i32
  }
  func.func @transform_3(%arg0: i32, %arg1: i32) -> (i32, i32) {
    %c0_i32 = arith.constant 0 : i32
    %c0_i32_0 = arith.constant 0 : i32
    return %c0_i32, %arg0 : i32, i32
  }
  func.func @transform_4(%arg0: i32, %arg1: i32) -> (i32, i32, i32, i32) {
    %jit3A = arith.constant 8 : i32
    %div3A = arith.divsi %arg1, %jit3A : i32
    %sign3A = arith.constant 0 : i32
    %sign3A_0 = arith.cmpi sgt, %arg1, %sign3A : i32
    %sign3A_1 = arith.extui %sign3A_0 : i1 to i32
    %sign3A_2 = arith.constant 0 : i32
    %sign3A_3 = arith.cmpi slt, %arg1, %sign3A_2 : i32
    %sign3A_4 = arith.extui %sign3A_3 : i1 to i32
    %sign3A_5 = arith.subi %sign3A_1, %sign3A_4 : i32
    %sign3A_6 = arith.constant 0 : i32
    %sign3A_7 = arith.cmpi sgt, %jit3A, %sign3A_6 : i32
    %sign3A_8 = arith.extui %sign3A_7 : i1 to i32
    %sign3A_9 = arith.constant 0 : i32
    %sign3A_10 = arith.cmpi slt, %jit3A, %sign3A_9 : i32
    %sign3A_11 = arith.extui %sign3A_10 : i1 to i32
    %sign3A_12 = arith.subi %sign3A_8, %sign3A_11 : i32
    %ne3A = arith.cmpi ne, %sign3A_5, %sign3A_12 : i32
    %rem3A = arith.remsi %arg1, %jit3A : i32
    %ne3A_13 = arith.constant 0 : i32
    %ne3A_14 = arith.cmpi ne, %rem3A, %ne3A_13 : i32
    %and3A = arith.andi %ne3A, %ne3A_14 : i1
    %sub3A = arith.constant 1 : i32
    %sub3A_15 = arith.subi %div3A, %sub3A : i32
    %select_n3A = arith.select %and3A, %sub3A_15, %div3A : i32
    %jit3A_16 = arith.constant 8 : i32
    %eq3A = arith.constant 0 : i32
    %eq3A_17 = arith.cmpi eq, %jit3A_16, %eq3A : i32
    %jit3A_18 = arith.constant 1 : i32
    %select_n3A_19 = arith.select %eq3A_17, %jit3A_18, %jit3A_16 : i32
    %rem3A_20 = arith.remsi %arg1, %select_n3A_19 : i32
    %ne3A_21 = arith.constant 0 : i32
    %ne3A_22 = arith.cmpi ne, %rem3A_20, %ne3A_21 : i32
    %lt3A = arith.constant 0 : i32
    %lt3A_23 = arith.cmpi slt, %rem3A_20, %lt3A : i32
    %lt3A_24 = arith.constant 0 : i32
    %lt3A_25 = arith.cmpi slt, %select_n3A_19, %lt3A_24 : i32
    %ne3A_26 = arith.xori %lt3A_23, %lt3A_25 : i1
    %and3A_27 = arith.andi %ne3A_26, %ne3A_22 : i1
    %add3A = arith.addi %rem3A_20, %select_n3A_19 : i32
    %select_n3A_28 = arith.select %and3A_27, %add3A, %rem3A_20 : i32
    %c0_i32 = arith.constant 0 : i32
    %c0_i32_29 = arith.constant 0 : i32
    return %select_n3A, %select_n3A_28, %arg0, %c0_i32 : i32, i32, i32, i32
  }
}

</mosaic_0001>

<sc_bundles>
// kernel: kernel.4.cloned.1.call-start
scs
__scs_entry_jumppad:
0x0: {  	(pc) =	sbr.rel $0x88, $3  }
0x1: {  	(tag) =	ssettag $0x0;
	lr =	simm.s32 $0x1  }
0x2: {  	[smem:$0x3F9A] =	sst lr;
	_ =	strace $0xD0000000  }
0x3: {  	_ = 	snop  }
0x4: {  	_ = 	snop  }
0x5: {  	_ = 	snop  }
0x6: {  	_ = 	snop  }
0x7: {  	_ = 	snop  }
__scs_overlays_trampoline_lowered:
0x8: {  	[smem:$0x3FA9] =	sst s0  }
0x9: {  	[smem:$0x3FAA] =	sst s1  }
0xa: {  	[smem:$0x3FAB] =	sst s2  }
0xb: {  	[smem:$0x3FAC] =	sst s3  }
0xc: {  	[smem:$0x3FAD] =	sst s4  }
0xd: {  	[smem:$0x3FAE] =	sst s5  }
0xe: {  	[smem:$0x3FAF] =	sst s6  }
0xf: {  	[smem:$0x3FB0] =	sst s7  }
0x10: {  	[smem:$0x3FB1] =	sst s8  }
0x11: {  	[smem:$0x3FB2] =	sst s9;
	s0 =	simm.s32 @!p0 $0x0  }
0x12: {  	s1 =	sld [smem:$0x3F98];
	s0 =	simm.s32 @p0 $0x1  }
0x13: {  	[smem:$0x3FB3] =	sst s0;
	s0 =	simm.s32 @!p1 $0x0  }
0x14: {  	s2 =	sld [smem:$0x3F97];
	s0 =	simm.s32 @p1 $0x1  }
0x15: {  	[smem:$0x3FB4] =	sst s0;
	s0 =	simm.s32 @!p2 $0x0  }
0x16: {  	s3 =	sld [smem:$0x3FDB];
	s0 =	simm.s32 @p2 $0x1  }
0x17: {  	s4 =	simm.s32 $0x1BF5;
	[smem:$0x3FB6] =	sst s0  }
0x18: {  	s0 =	sld [smem:$0x3F99];
	_ =	swait.ge [sflag:s4], $0x0  }
0x19: {  	s7 =	sld [smem:$0x3F9A]  }
0x1a: {  	s8 =	sadd.s32 $0xFFFFE003, lr  }
0x1b: {  	s9 =	sadd.s32 $0xFFFFFEF7, lr;
	s5 =	simm.s32 $0xFFFFFFFF;
	p2 =	slt.u32 s8, $0xFFFFF086  }
0x1c: {  	p1 =	slt.u32 s9, $0xF7A;
	s5 =	simm.s32 @!p2 $0x0  }
0x1d: {  	s5 =	simm.s32 @p1 $0x1;
	p0 =	seq.s32 s7, s2  }
0x1e: {  	s7 =	smul.u32 @!p0 $0xF7A, s2;
	p2 =	seq.s32 @!p0 s5, $0x0  }
0x1f: {  	s9 =	smul.u32 $0xF7A, s1;
	s8 =	simm.s32 @!p0 $0x1BF5;
	p2 =	por !p2, p0  }
0x20: {  	[sflag:s8] =	ssyncset.s32 @!p0 $0xFFFFF086;
	s6 =	sadd.s32 @!p0 s3, s7;
	s7 =	simm.s32 @!p0 $0x108  }
0x21: {  	s3 =	sadd.s32 s3, s9;
	s6 =	sadd.s32 @!p0 $0x88, s6;
	s7 =	simm.s32 @p2 $0x1082  }
0x22: {  	[simem:s7], [sflag:s8] =	dma.local @!p0 [hbm:s6], $0xF7A  }
0x23: {  	s9 =	sor.u32 $0xD0000000, s2;
	s6 =	simm.s32 $0x108;
	_ =	swait.ge @!p0 [sflag:s8], $0x0  }
0x24: {  	s3 =	sadd.s32 $0x88, s3;
	s6 =	simm.s32 @!p1 $0x1082;
	[sflag:s4] =	ssyncset.s32 $0xFFFFF086  }
0x25: {  	[simem:s6], [sflag:s4] =	dma.local [hbm:s3], $0xF7A  }
0x26: {  	[smem:$0x3F9A] =	sst s1;
	(tag) =	ssettag s2;
	_ =	strace s9  }
0x27: {  	s1 =	sld [smem:$0x3FAA]  }
0x28: {  	s2 =	sld [smem:$0x3FAB]  }
0x29: {  	s4 =	sld [smem:$0x3FAD]  }
0x2a: {  	p0 =	seq.s32 s5, $0x0;
	s5 =	sld [smem:$0x3FAE]  }
0x2b: {  	s6 =	sld [smem:$0x3FAF]  }
0x2c: {  	s7 =	sld [smem:$0x3FB0]  }
0x2d: {  	s3 =	simm.s32 $0x108;
	s8 =	sld [smem:$0x3FB1]  }
0x2e: {  	s3 =	simm.s32 @!p0 $0x1082;
	s9 =	sld [smem:$0x3FB2]  }
0x2f: {  	lr =	sadd.s32 s0, s3;
	s0 =	sld [smem:$0x3FA9]  }
0x30: {  	s3 =	sld [smem:$0x3FAC]  }
0x31: {  	[smem:$0x3FB5] =	sst s10  }
0x32: {  	s10 =	sld [smem:$0x3FB3];
	_ =	sdelay $0x3  }
0x33: {  	p0 =	seq.s32 s10, $0x1;
	s10 =	sld [smem:$0x3FB5];
	_ =	sdelay $0x3  }
0x34: {  	[smem:$0x3FB5] =	sst s10  }
0x35: {  	s10 =	sld [smem:$0x3FB4];
	_ =	sdelay $0x3  }
0x36: {  	p1 =	seq.s32 s10, $0x1;
	s10 =	sld [smem:$0x3FB5];
	_ =	sdelay $0x3  }
0x37: {  	[smem:$0x3FB5] =	sst s10  }
0x38: {  	s10 =	sld [smem:$0x3FB6]  }
0x39: {  	_ = 	snop;
	(pc) =	sbr.ind lr, $3  }
0x3a: {  	_ = 	snop  }
0x3b: {  	_ = 	snop  }
0x3c: {  	p2 =	seq.s32 s10, $0x1;
	s10 =	sld [smem:$0x3FB5]  }
0x3d: {  	_ =	shalt  }
0x3e: {  	_ =	shalt  }
0x3f: {  	_ =	shalt  }
0x40: {  	_ =	shalt  }
0x41: {  	_ =	shalt  }
0x42: {  	_ =	shalt  }
0x43: {  	_ =	shalt  }
0x44: {  	_ =	shalt  }
0x45: {  	_ =	shalt  }
0x46: {  	_ =	shalt  }
0x47: {  	_ =	shalt  }
0x48: {  	_ =	shalt  }
0x49: {  	_ =	shalt  }
0x4a: {  	_ =	shalt  }
0x4b: {  	_ =	shalt  }
0x4c: {  	_ =	shalt  }
0x4d: {  	_ =	shalt  }
0x4e: {  	_ =	shalt  }
0x4f: {  	_ =	shalt  }
0x50: {  	_ =	shalt  }
0x51: {  	_ =	shalt  }
0x52: {  	_ =	shalt  }
0x53: {  	_ =	shalt  }
0x54: {  	_ =	shalt  }
0x55: {  	_ =	shalt  }
0x56: {  	_ =	shalt  }
0x57: {  	_ =	shalt  }
0x58: {  	_ =	shalt  }
0x59: {  	_ =	shalt  }
0x5a: {  	_ =	shalt  }
0x5b: {  	_ =	shalt  }
0x5c: {  	_ =	shalt  }
0x5d: {  	_ =	shalt  }
0x5e: {  	_ =	shalt  }
0x5f: {  	_ =	shalt  }
0x60: {  	_ =	shalt  }
0x61: {  	_ =	shalt  }
0x62: {  	_ =	shalt  }
0x63: {  	_ =	shalt  }
0x64: {  	_ =	shalt  }
0x65: {  	_ =	shalt  }
0x66: {  	_ =	shalt  }
0x67: {  	_ =	shalt  }
0x68: {  	_ =	shalt  }
0x69: {  	_ =	shalt  }
0x6a: {  	_ =	shalt  }
0x6b: {  	_ =	shalt  }
0x6c: {  	_ =	shalt  }
0x6d: {  	_ =	shalt  }
0x6e: {  	_ =	shalt  }
0x6f: {  	_ =	shalt  }
0x70: {  	_ =	shalt  }
0x71: {  	_ =	shalt  }
0x72: {  	_ =	shalt  }
0x73: {  	_ =	shalt  }
0x74: {  	_ =	shalt  }
0x75: {  	_ =	shalt  }
0x76: {  	_ =	shalt  }
0x77: {  	_ =	shalt  }
0x78: {  	_ =	shalt  }
0x79: {  	_ =	shalt  }
0x7a: {  	_ =	shalt  }
0x7b: {  	_ =	shalt  }
0x7c: {  	_ =	shalt  }
0x7d: {  	_ =	shalt  }
0x7e: {  	_ =	shalt  }
0x7f: {  	_ =	shalt  }
0x80: {  	_ =	shalt  }
0x81: {  	_ =	shalt  }
0x82: {  	_ =	shalt  }
0x83: {  	_ =	shalt  }
0x84: {  	_ =	shalt  }
0x85: {  	_ =	shalt  }
0x86: {  	_ =	shalt  }
0x87: {  	_ =	shalt  }
.Lfunc_end0:
.L_simem_size_0:
called_computation_lowered:
.L_overlay_start_0:
0x88: {  	s2 =	sld [smem:$0x3FD9]  }
0x89: {  	s3 =	sld [smem:$0x3FFE];
	_ =	sdelay $0x1  }
0x8a: {  	s1 =	srdreg.scid  }
0x8b: {  	s0 =	sand.u32 $0x1, s1  }
0x8c: {  	s17 =	sshll.u32 s0, $0xA;
	s2 =	sadd.s32 s3, s2  }
0x8d: {  	s2 =	sadd.s32 s2, s17  }
0x8e: {  	[smem:$0x3FC1] =	sst s2  }
0x8f: {  	_ = 	snop  }
0x90: {  	s2 =	sld [smem:$0x3FC7]  }
0x91: {  	s18 =	sld [smem:$0x3FD0];
	(tm) =	ssettm $0x1  }
0x92: {  	s4 =	sld [smem:$0x3FFB];
	_ =	sdelay $0x3  }
0x93: {  	_ =	strace s4  }
0x94: {  	s4 =	sld [smem:$0x3FFC];
	_ =	sdelay $0x3  }
0x95: {  	_ =	strace s4  }
0x96: {  	s4 =	sld [smem:$0x3FFD];
	_ =	sdelay $0x3  }
0x97: {  	_ =	strace s4  }
0x98: {  	_ =	strace $0x8FFFFFFF  }
0x99: {  	s19 =	sld [smem:$0x3FDB];
	_ =	sdelay $0x1  }
0x9a: {  	s5 =	simm.s32 $_scs_section_size  }
0x9b: {  	s6 =	simm.s32 $_size__tile_overlayer_lowered;
	s7 =	simm.s32 $_tile_overlayer_lowered  }
0x9c: {  	s22 =	simm.s32 $0x1BFF;
	s21 =	sshll.u32 s7, $0x1;
	s4 =	sadd.s32 s5, s19  }
0x9d: {  	s8 =	simm.s32 $0x0;
	s20 =	sshll.u32 s6, $0x1;
	s6 =	sadd.s32 s21, s4  }
0x9e: {  	[timem:s8], [sflag:s22] =	dma.local [hbm:s6], s20  }
0x9f: {  	_ =	swait.ge [sflag:s22], s20  }
0xa0: {  	s5 =	ssub.s32 $0x0, s20;
	[sflag:s22] =	ssyncset.done $0x0  }
0xa1: {  	[sflag:s22] =	ssyncadd.s32 s5;
	_ =	sdelay $0x1  }
0xa2: {  	s23 =	simm.s32 $0x1B8B  }
0xa3: {  	_ =	swait.ge [sflag:s23], $0x1  }
0xa4: {  	[sflag:s23] =	ssyncset.done $0x0  }
0xa5: {  	s25 =	simm.s32 $0x1B8E;
	s24 =	sld [smem:$0x3FFE];
	[sflag:s23] =	ssyncadd.s32 $0xFFFFFFFF  }
0xa6: {  	s26 =	simm.s32 $execute0_lowered;
	[smem:$0x3FD2] =	sst s25  }
0xa7: {  	s6 =	sshll.u32 s26, $0x1;
	_ =	strace $0x80000046;
	[dreg:$0x1] =	wrdreg $0xFFFFFFFF  }
0xa8: {  	s28 =	simm.s32 $_size_execute0_lowered;
	s4 =	sadd.s32 s4, s6;
	[dreg:$0x0] =	wrdreg $0x0  }
0xa9: {  	s6 =	sshll.u32 s28, $0x1;
	[dreg:$0x2] =	wrdreg s4  }
0xaa: {  	[dreg:$0x3] =	wrdreg s6  }
0xab: {  	[dreg:$0x4] =	wrdreg $0xC0  }
0xac: {  	_ =	task [dreg:s8], $0x5FFFF  }
0xad: {  	[dreg:$0x1] =	wrdreg $0xFFFFFFFF  }
0xae: {  	[dreg:$0x0] =	wrdreg $0x60  }
0xaf: {  	[dreg:$0x2] =	wrdreg s2  }
0xb0: {  	[dreg:$0x3] =	wrdreg s24  }
0xb1: {  	[dreg:$0x4] =	wrdreg s18  }
0xb2: {  	[dreg:$0x5] =	wrdreg $0x9  }
0xb3: {  	_ =	task.clear_ibuf [dreg:s8], $0x6FFFF;
	_ =	strace $0x90000046  }
0xb4: {  	s29 =	simm.s32 $0x9;
	_ =	strace $0x80000048  }
0xb5: {  	_ =	swait.ge [sflag:s29], $0x1  }
0xb6: {  	[sflag:s29] =	ssyncadd.s32 $0xFFFFFFFF  }
0xb7: {  	_ =	strace $0x90000048  }
0xb8: {  	_ =	sfence  }
0xb9: {  	s30 =	sld [smem:$0x0];
	_ =	sdelay $0x2  }
0xba: {  	s31 =	sshll.u32 s1, $0xD;
	s1 =	sshrl.u32 s1, $0x2  }
0xbb: {  	s3 =	sand.u32 $0x4000, s31;
	s1 =	sadd.s32 s1, s30  }
0xbc: {  	s0 =	sor.u32 s3, s0;
	s1 =	sshll.u32 s1, $0x11  }
0xbd: {  	s0 =	sor.u32 s1, s0  }
0xbe: {  	s0 =	sadd.s32 $0x8F2B, s0  }
0xbf: {  	[sflag:s0] =	ssyncadd.remote.s32 $0x1  }
0xc0: {  	_ =	sfence.sel $0xFFFF  }
0xc1: {  	[dreg:$0x0] =	wrdreg $0xFFFFFFFF;
	(pc) =	sbr.abs _section_cstart, $3  }
0xc2: {  	[dreg:$0x1] =	wrdreg $0xFFFFFFFF  }
0xc3: {  	_ =	task.clear_ibuf [dreg:s8], $0x2FFFF;
	_ =	strace $0x9FFFFFFF  }
0xc4: {  	(tm) =	ssettm $0x7FFFFFFF  }
0xc5: {  	_ =	shalt  }
tec
execute0_lowered:
.L_overlay_start_1:
0x0: {  	(tag) =	ssettag $0x1  }
0x1: {  	s2 =	srdreg.scid;
	s1 =	rddreg [dreg:$0x0]  }
0x2: {  	s0 =	stileid.u32;
	s4 =	rddreg [dreg:$0x1];
	s2 =	sand.u32 $0x1, s2  }
0x3: {  	s6 =	rddreg [dreg:$0x2];
	s3 =	sshll.u32 s0, $0x8;
	s5 =	sshll.u32 s2, $0x7  }
0x4: {  	s14 =	simm.s32 $0x880;
	s5 =	sor.u32 s5, s3;
	s3 =	simm.s32 $0x0  }
0x5: {  	s15 =	simm.s32 $0x1080;
	s16 =	simm.s32 $0x1880;
	[smem:$0x7FF] =	sst s3  }
0x6: {  	s17 =	simm.s32 $0x2080;
	_ =	strace $0x80000047;
	[dreg:$0x8] =	wrdreg s14  }
0x7: {  	s18 =	simm.s32 $0x2880;
	s19 =	simm.s32 $0x3080;
	[dreg:$0x9] =	wrdreg s15  }
0x8: {  	s21 =	simm.s32 $0x3880;
	s22 =	simm.s32 $0x4880;
	[dreg:$0xa] =	wrdreg s16  }
0x9: {  	s23 =	simm.s32 $0x5080;
	s24 =	simm.s32 $0x5880;
	[dreg:$0xb] =	wrdreg s17  }
0xa: {  	s25 =	simm.s32 $0x6080;
	s8 =	simm.s32 $0x80;
	[dreg:$0xc] =	wrdreg s18  }
0xb: {  	s26 =	simm.s32 $0x6880;
	s9 =	simm.s32 $0x4080;
	[dreg:$0xd] =	wrdreg s19  }
0xc: {  	s11 =	simm.s32 $0x7880;
	s28 =	simm.s32 $0xF880;
	[dreg:$0xe] =	wrdreg s21  }
0xd: {  	s29 =	simm.s32 $0x1;
	s30 =	simm.s32 $0x2;
	[dreg:$0xf] =	wrdreg s22  }
0xe: {  	s31 =	simm.s32 $0x3;
	s2 =	ssub.s32 $0x2, s2;
	[dreg:$0x10] =	wrdreg s23  }
0xf: {  	s20 =	sshrl.u32 s2, $0x1;
	s7 =	sshrl.u32 s5, $0x3;
	[dreg:$0x11] =	wrdreg s24  }
0x10: {  	s5 =	sshll.u32 s5, $0x6;
	s2 =	ssub.s32 s2, s20;
	[dreg:$0x12] =	wrdreg s25  }
0x11: {  	s20 =	simm.s32 $0xC080;
	s4 =	sadd.s32 s7, s4;
	[dreg:$0x13] =	wrdreg s26  }
0x12: {  	s14 =	simm.s32 $0x9080;
	s15 =	simm.s32 $0x9880;
	s16 =	simm.s32 $0xA080  }
0x13: {  	s17 =	simm.s32 $0xA880;
	s18 =	simm.s32 $0xB080;
	s19 =	simm.s32 $0xB880  }
0x14: {  	s21 =	simm.s32 $0xC880;
	s22 =	simm.s32 $0xD080;
	s23 =	simm.s32 $0xD880  }
0x15: {  	s24 =	simm.s32 $0xE080;
	s7 =	sadd.s32 $0x1200, s4;
	s4 =	sadd.s32 s6, s5  }
0x16: {  	s25 =	simm.s32 $0xE880;
	[dreg:$0x4] =	wrdreg s7;
	s5 =	sadd.s32 $0x800, s4  }
0x17: {  	s26 =	simm.s32 $0xF080;
	s12 =	sadd.s32 $0x1000, s4;
	[dreg:$0x5] =	wrdreg s5  }
0x18: {  	v2 =	vlaneseq.u32;
	s6 =	smax.u32 s2, $0x1;
	s13 =	sadd.s32 $0x1800, s4;
	[dreg:$0x6] =	wrdreg s12  }
0x19: {  	vm0 =	vmmov $0xffff;
	v1 =	vshrl.u32 v2, $0x3;
	s2 =	simm.s32 $0x4;
	s7 =	simm.s32 $0x5;
	[dreg:$0x7] =	wrdreg s13  }
0x1a: {  	v0 =	vand.u32 $0x7, v2;
	v2 =	vor.u32 $0x8, v2;
	v1 =	vmul.u32 $0x8, v1;
	s5 =	sadd.s32 $0x100, s1;
	s12 =	simm.s32 $0x8080;
	s13 =	simm.s32 $0x8880  }
.LBB2_1:
0x1b: {  	s0 =	rddreg [dreg:$0x4]  }
0x1c: {  	[tilespmem:s3], [sflag:$0x5] =	stream.linear.gather [hbm4b:s0+s3], $0x80, $0x38;
	[tilespmem:$0x10080] =	vst v63  }
0x1d: {  	_ =	swait.ge [sflag:s7], $0x80  }
0x1e: {  	[sflag:s7] =	ssyncset.done $0x0  }
0x1f: {  	[sflag:s7] =	ssyncadd.s32 $0xFFFFFF80  }
0x20: {  	v3 =	vld [tilespmem:$0x0];
	_ =	sdelay $0x4  }
0x21: {  	v4 =	vshll.u32 v3, $0x2  }
0x22: {  	v3 =	vand.u32 $0x7, v3;
	v4 =	vand.u32 $0xFFFFFFE0, v4  }
0x23: {  	v3 =	vor.u32 v3, v4  }
0x24: {  	v4 =	vperm.xlane v3, v0;
	_ =	sdelay $0x1  }
0x25: {  	v4 =	vadd.s32 v1, v4;
	_ =	sdelay $0x1  }
0x26: {  	v3 =	vperm.xlane v3, v2;
	_ =	sdelay $0x1  }
0x27: {  	v3 =	vadd.s32 v1, v3  }
0x28: {  	[tilespmem:s8], [sflag:$0x1] =	stream.indirect_vreg.gather [hbm4b:s1+s3], $0x80, v4, vm0, $0xb8;
	[tilespmem:$0x10080] =	vst v63  }
0x29: {  	s0 =	rddreg [dreg:$0x8]  }
0x2a: {  	[tilespmem:s0], [sflag:$0x1] =	stream.indirect_vreg.gather [hbm4b:s5+s3], $0x80, v4, vm0, $0xb8;
	[tilespmem:$0x10080] =	vst v63  }
0x2b: {  	s10 =	rddreg [dreg:$0x9]  }
0x2c: {  	[tilespmem:s10], [sflag:$0x1] =	stream.indirect_vreg.gather [hbm4b:s1+s3], $0x80, v3, vm0, $0xb8;
	[tilespmem:$0x10080] =	vst v63  }
0x2d: {  	s0 =	rddreg [dreg:$0xa]  }
0x2e: {  	[tilespmem:s0], [sflag:$0x1] =	stream.indirect_vreg.gather [hbm4b:s5+s3], $0x80, v3, vm0, $0xb8;
	[tilespmem:$0x10080] =	vst v63  }
0x2f: {  	v3 =	vld [tilespmem:$0x10];
	_ =	sdelay $0x4  }
0x30: {  	v57 =	vshll.u32 v3, $0x2  }
0x31: {  	v3 =	vand.u32 $0x7, v3;
	v4 =	vand.u32 $0xFFFFFFE0, v57  }
0x32: {  	v3 =	vor.u32 v3, v4  }
0x33: {  	v4 =	vperm.xlane v3, v0;
	_ =	sdelay $0x1  }
0x34: {  	v4 =	vadd.s32 v1, v4;
	_ =	sdelay $0x1  }
0x35: {  	v3 =	vperm.xlane v3, v2;
	_ =	sdelay $0x1  }
0x36: {  	s0 =	rddreg [dreg:$0xb];
	v3 =	vadd.s32 v1, v3  }
0x37: {  	[tilespmem:s0], [sflag:$0x1] =	stream.indirect_vreg.gather [hbm4b:s1+s3], $0x80, v4, vm0, $0xb8;
	[tilespmem:$0x10080] =	vst v63  }
0x38: {  	s10 =	rddreg [dreg:$0xc]  }
0x39: {  	[tilespmem:s10], [sflag:$0x1] =	stream.indirect_vreg.gather [hbm4b:s5+s3], $0x80, v4, vm0, $0xb8;
	[tilespmem:$0x10080] =	vst v63  }
0x3a: {  	s0 =	rddreg [dreg:$0xd]  }
0x3b: {  	[tilespmem:s0], [sflag:$0x1] =	stream.indirect_vreg.gather [hbm4b:s1+s3], $0x80, v3, vm0, $0xb8;
	[tilespmem:$0x10080] =	vst v63  }
0x3c: {  	s10 =	rddreg [dreg:$0xe]  }
0x3d: {  	[tilespmem:s10], [sflag:$0x1] =	stream.indirect_vreg.gather [hbm4b:s5+s3], $0x80, v3, vm0, $0xb8;
	[tilespmem:$0x10080] =	vst v63  }
0x3e: {  	v3 =	vld [tilespmem:$0x20];
	_ =	sdelay $0x4  }
0x3f: {  	v58 =	vshll.u32 v3, $0x2  }
0x40: {  	v3 =	vand.u32 $0x7, v3;
	v4 =	vand.u32 $0xFFFFFFE0, v58  }
0x41: {  	v3 =	vor.u32 v3, v4  }
0x42: {  	v4 =	vperm.xlane v3, v0;
	_ =	sdelay $0x1  }
0x43: {  	v4 =	vadd.s32 v1, v4;
	_ =	sdelay $0x1  }
0x44: {  	v3 =	vperm.xlane v3, v2;
	_ =	sdelay $0x1  }
0x45: {  	v3 =	vadd.s32 v1, v3  }
0x46: {  	[tilespmem:s9], [sflag:$0x2] =	stream.indirect_vreg.gather [hbm4b:s1+s3], $0x80, v4, vm0, $0xb8;
	[tilespmem:$0x10080] =	vst v63  }
0x47: {  	s0 =	rddreg [dreg:$0xf]  }
0x48: {  	[tilespmem:s0], [sflag:$0x2] =	stream.indirect_vreg.gather [hbm4b:s5+s3], $0x80, v4, vm0, $0xb8;
	[tilespmem:$0x10080] =	vst v63  }
0x49: {  	s10 =	rddreg [dreg:$0x10]  }
0x4a: {  	[tilespmem:s10], [sflag:$0x2] =	stream.indirect_vreg.gather [hbm4b:s1+s3], $0x80, v3, vm0, $0xb8;
	[tilespmem:$0x10080] =	vst v63  }
0x4b: {  	s0 =	rddreg [dreg:$0x11]  }
0x4c: {  	[tilespmem:s0], [sflag:$0x2] =	stream.indirect_vreg.gather [hbm4b:s5+s3], $0x80, v3, vm0, $0xb8;
	[tilespmem:$0x10080] =	vst v63  }
0x4d: {  	v3 =	vld [tilespmem:$0x30];
	_ =	sdelay $0x4  }
0x4e: {  	v59 =	vshll.u32 v3, $0x2  }
0x4f: {  	v3 =	vand.u32 $0x7, v3;
	v4 =	vand.u32 $0xFFFFFFE0, v59  }
0x50: {  	v3 =	vor.u32 v3, v4  }
0x51: {  	v4 =	vperm.xlane v3, v0;
	_ =	sdelay $0x1  }
0x52: {  	v4 =	vadd.s32 v1, v4;
	_ =	sdelay $0x1  }
0x53: {  	v3 =	vperm.xlane v3, v2;
	_ =	sdelay $0x1  }
0x54: {  	s0 =	rddreg [dreg:$0x12];
	v3 =	vadd.s32 v1, v3  }
0x55: {  	[tilespmem:s0], [sflag:$0x2] =	stream.indirect_vreg.gather [hbm4b:s1+s3], $0x80, v4, vm0, $0xb8;
	[tilespmem:$0x10080] =	vst v63  }
0x56: {  	s10 =	rddreg [dreg:$0x13]  }
0x57: {  	[tilespmem:s10], [sflag:$0x2] =	stream.indirect_vreg.gather [hbm4b:s5+s3], $0x80, v4, vm0, $0xb8;
	[tilespmem:$0x10080] =	vst v63  }
0x58: {  	s10 =	simm.s32 $0x7080  }
0x59: {  	[tilespmem:s10], [sflag:$0x2] =	stream.indirect_vreg.gather [hbm4b:s1+s3], $0x80, v3, vm0, $0xb8;
	[tilespmem:$0x10080] =	vst v63  }
0x5a: {  	_ = 	snop  }
0x5b: {  	[tilespmem:s11], [sflag:$0x2] =	stream.indirect_vreg.gather [hbm4b:s5+s3], $0x80, v3, vm0, $0xb8;
	[tilespmem:$0x10080] =	vst v63  }
0x5c: {  	v3 =	vld [tilespmem:$0x40];
	_ =	sdelay $0x4  }
0x5d: {  	v60 =	vshll.u32 v3, $0x2  }
0x5e: {  	v3 =	vand.u32 $0x7, v3;
	v4 =	vand.u32 $0xFFFFFFE0, v60  }
0x5f: {  	v3 =	vor.u32 v3, v4  }
0x60: {  	v4 =	vperm.xlane v3, v0;
	_ =	sdelay $0x1  }
0x61: {  	v4 =	vadd.s32 v1, v4;
	_ =	sdelay $0x1  }
0x62: {  	v3 =	vperm.xlane v3, v2;
	_ =	sdelay $0x1  }
0x63: {  	v3 =	vadd.s32 v1, v3  }
0x64: {  	[tilespmem:s12], [sflag:$0x3] =	stream.indirect_vreg.gather [hbm4b:s1+s3], $0x80, v4, vm0, $0xb8;
	[tilespmem:$0x10080] =	vst v63  }
0x65: {  	_ = 	snop  }
0x66: {  	[tilespmem:s13], [sflag:$0x3] =	stream.indirect_vreg.gather [hbm4b:s5+s3], $0x80, v4, vm0, $0xb8;
	[tilespmem:$0x10080] =	vst v63  }
0x67: {  	_ = 	snop  }
0x68: {  	[tilespmem:s14], [sflag:$0x3] =	stream.indirect_vreg.gather [hbm4b:s1+s3], $0x80, v3, vm0, $0xb8;
	[tilespmem:$0x10080] =	vst v63  }
0x69: {  	_ = 	snop  }
0x6a: {  	[tilespmem:s15], [sflag:$0x3] =	stream.indirect_vreg.gather [hbm4b:s5+s3], $0x80, v3, vm0, $0xb8;
	[tilespmem:$0x10080] =	vst v63  }
0x6b: {  	v3 =	vld [tilespmem:$0x50];
	_ =	sdelay $0x4  }
0x6c: {  	v61 =	vshll.u32 v3, $0x2  }
0x6d: {  	v3 =	vand.u32 $0x7, v3;
	v4 =	vand.u32 $0xFFFFFFE0, v61  }
0x6e: {  	v3 =	vor.u32 v3, v4  }
0x6f: {  	v4 =	vperm.xlane v3, v0;
	_ =	sdelay $0x1  }
0x70: {  	v4 =	vadd.s32 v1, v4;
	_ =	sdelay $0x1  }
0x71: {  	v3 =	vperm.xlane v3, v2;
	_ =	sdelay $0x1  }
0x72: {  	v3 =	vadd.s32 v1, v3  }
0x73: {  	[tilespmem:s16], [sflag:$0x3] =	stream.indirect_vreg.gather [hbm4b:s1+s3], $0x80, v4, vm0, $0xb8;
	[tilespmem:$0x10080] =	vst v63  }
0x74: {  	_ = 	snop  }
0x75: {  	[tilespmem:s17], [sflag:$0x3] =	stream.indirect_vreg.gather [hbm4b:s5+s3], $0x80, v4, vm0, $0xb8;
	[tilespmem:$0x10080] =	vst v63  }
0x76: {  	_ = 	snop  }
0x77: {  	[tilespmem:s18], [sflag:$0x3] =	stream.indirect_vreg.gather [hbm4b:s1+s3], $0x80, v3, vm0, $0xb8;
	[tilespmem:$0x10080] =	vst v63  }
0x78: {  	_ = 	snop  }
0x79: {  	[tilespmem:s19], [sflag:$0x3] =	stream.indirect_vreg.gather [hbm4b:s5+s3], $0x80, v3, vm0, $0xb8;
	[tilespmem:$0x10080] =	vst v63  }
0x7a: {  	v3 =	vld [tilespmem:$0x60];
	_ =	sdelay $0x4  }
0x7b: {  	v62 =	vshll.u32 v3, $0x2  }
0x7c: {  	v3 =	vand.u32 $0x7, v3;
	v4 =	vand.u32 $0xFFFFFFE0, v62  }
0x7d: {  	v3 =	vor.u32 v3, v4  }
0x7e: {  	v4 =	vperm.xlane v3, v0;
	_ =	sdelay $0x1  }
0x7f: {  	v4 =	vadd.s32 v1, v4;
	_ =	sdelay $0x1  }
0x80: {  	v3 =	vperm.xlane v3, v2;
	_ =	sdelay $0x1  }
0x81: {  	v3 =	vadd.s32 v1, v3  }
0x82: {  	[tilespmem:s20], [sflag:$0x4] =	stream.indirect_vreg.gather [hbm4b:s1+s3], $0x80, v4, vm0, $0xb8;
	[tilespmem:$0x10080] =	vst v63  }
0x83: {  	_ = 	snop  }
0x84: {  	[tilespmem:s21], [sflag:$0x4] =	stream.indirect_vreg.gather [hbm4b:s5+s3], $0x80, v4, vm0, $0xb8;
	[tilespmem:$0x10080] =	vst v63  }
0x85: {  	_ = 	snop  }
0x86: {  	[tilespmem:s22], [sflag:$0x4] =	stream.indirect_vreg.gather [hbm4b:s1+s3], $0x80, v3, vm0, $0xb8;
	[tilespmem:$0x10080] =	vst v63  }
0x87: {  	_ = 	snop  }
0x88: {  	[tilespmem:s23], [sflag:$0x4] =	stream.indirect_vreg.gather [hbm4b:s5+s3], $0x80, v3, vm0, $0xb8;
	[tilespmem:$0x10080] =	vst v63  }
0x89: {  	v3 =	vld [tilespmem:$0x70];
	_ =	sdelay $0x4  }
0x8a: {  	v63 =	vshll.u32 v3, $0x2  }
0x8b: {  	v3 =	vand.u32 $0x7, v3;
	v4 =	vand.u32 $0xFFFFFFE0, v63  }
0x8c: {  	v3 =	vor.u32 v3, v4  }
0x8d: {  	v4 =	vperm.xlane v3, v0;
	_ =	sdelay $0x1  }
0x8e: {  	v4 =	vadd.s32 v1, v4;
	_ =	sdelay $0x1  }
0x8f: {  	v3 =	vperm.xlane v3, v2;
	_ =	sdelay $0x1  }
0x90: {  	v3 =	vadd.s32 v1, v3  }
0x91: {  	[tilespmem:s24], [sflag:$0x4] =	stream.indirect_vreg.gather [hbm4b:s1+s3], $0x80, v4, vm0, $0xb8;
	[tilespmem:$0x10080] =	vst v63  }
0x92: {  	_ = 	snop  }
0x93: {  	[tilespmem:s25], [sflag:$0x4] =	stream.indirect_vreg.gather [hbm4b:s5+s3], $0x80, v4, vm0, $0xb8;
	[tilespmem:$0x10080] =	vst v63  }
0x94: {  	_ = 	snop  }
0x95: {  	[tilespmem:s26], [sflag:$0x4] =	stream.indirect_vreg.gather [hbm4b:s1+s3], $0x80, v3, vm0, $0xb8;
	[tilespmem:$0x10080] =	vst v63  }
0x96: {  	_ = 	snop  }
0x97: {  	[tilespmem:s28], [sflag:$0x4] =	stream.indirect_vreg.gather [hbm4b:s5+s3], $0x80, v3, vm0, $0xb8;
	[tilespmem:$0x10080] =	vst v63  }
0x98: {  	_ =	swait.ge [sflag:s29], $0x4000  }
0x99: {  	[sflag:s29] =	ssyncset.done $0x0  }
0x9a: {  	[sflag:s29] =	ssyncadd.s32 $0xFFFFC000  }
0x9b: {  	[hbm4b:s4+s3] =	stream.linear.scatter [tilespmem:s8], [sflag:$0x1], $0x4000, $0x38;
	[tilespmem:$0x10080] =	vst v63  }
0x9c: {  	_ =	swait.ge [sflag:s30], $0x4000  }
0x9d: {  	[sflag:s30] =	ssyncset.done $0x0  }
0x9e: {  	s10 =	rddreg [dreg:$0x5];
	[sflag:s30] =	ssyncadd.s32 $0xFFFFC000  }
0x9f: {  	[hbm4b:s10+s3] =	stream.linear.scatter [tilespmem:s9], [sflag:$0x2], $0x4000, $0x38;
	[tilespmem:$0x10080] =	vst v63  }
0xa0: {  	_ =	swait.ge [sflag:s31], $0x4000  }
0xa1: {  	[sflag:s31] =	ssyncset.done $0x0  }
0xa2: {  	s10 =	rddreg [dreg:$0x6];
	[sflag:s31] =	ssyncadd.s32 $0xFFFFC000  }
0xa3: {  	[hbm4b:s10+s3] =	stream.linear.scatter [tilespmem:s12], [sflag:$0x3], $0x4000, $0x38;
	[tilespmem:$0x10080] =	vst v63  }
0xa4: {  	_ =	swait.ge [sflag:s2], $0x4000  }
0xa5: {  	[sflag:s2] =	ssyncset.done $0x0  }
0xa6: {  	s10 =	rddreg [dreg:$0x7];
	[sflag:s2] =	ssyncadd.s32 $0xFFFFC000  }
0xa7: {  	[hbm4b:s10+s3] =	stream.linear.scatter [tilespmem:s20], [sflag:$0x4], $0x4000, $0x38;
	[tilespmem:$0x10080] =	vst v63  }
0xa8: {  	_ =	swait.ge [sflag:s29], $0x4000  }
0xa9: {  	[sflag:s29] =	ssyncset.done $0x0  }
0xaa: {  	[sflag:s29] =	ssyncadd.s32 $0xFFFFC000  }
0xab: {  	_ =	swait.ge [sflag:s30], $0x4000  }
0xac: {  	[sflag:s30] =	ssyncset.done $0x0  }
0xad: {  	[sflag:s30] =	ssyncadd.s32 $0xFFFFC000  }
0xae: {  	p0 =	sne.s32 s6, $0x1;
	_ =	swait.ge [sflag:s31], $0x4000  }
.Ltmp0:
0xaf: {  	[sflag:s31] =	ssyncset.done $0x0;
	(pc) =	sbr.rel @p0 .LBB2_1-.Ltmp0, $4  }
0xb0: {  	[sflag:s31] =	ssyncadd.s32 $0xFFFFC000  }
0xb1: {  	_ =	swait.ge [sflag:s2], $0x4000  }
0xb2: {  	[sflag:s2] =	ssyncset.done $0x0  }
0xb3: {  	s6 =	sadd.s32 $0xFFFFFFFF, s6;
	[sflag:s2] =	ssyncadd.s32 $0xFFFFC000  }
0xb4: {  	_ =	sfence.sel $0x180000  }
0xb5: {  	[bflag:$0x0] =	sbarrier.arrive $0xFFFF  }
0xb6: {  	_ =	strace $0x90000047  }
0xb7: {  	s0 =	stileid.u32;
	[bflag:$0x2] =	sbarrier.arrive $0xFFFF  }
0xb8: {  	p0 =	sne.s32 s0, $0x0;
	s0 =	rddreg [dreg:$0x3]  }
0xb9: {  	s0 =	sadd.s32 @!p0 $0x100000, s0  }
0xba: {  	[sflag:s0] =	ssyncadd.tile.s32 @!p0 $0x1;
	_ =	shalt  }
.Lfunc_end2:
_tile_overlayer_lowered:
.L_overlay_start_2:
0xbb: {  	(tag) =	ssettag $0x2  }
0xbc: {  	s0 =	rddreg [dreg:$0x0];
	s2 =	stileid.u32  }
0xbd: {  	s1 =	rddreg [dreg:$0x1];
	p0 =	sne.s32 s2, $0x0  }
0xbe: {  	s3 =	rddreg [dreg:$0x2];
	[bflag:$0x3] =	sbarrier.arrive $0xFFFF;
	s2 =	simm.s32 @!p0 $0x1C05  }
0xbf: {  	[timem:s3], [sflag:s2] =	dma.local @!p0 [hbm:s0], s1  }
0xc0: {  	s0 =	simm.s32 @!p0 $0x5  }
0xc1: {  	_ =	swait.ge @!p0 [sflag:s0], s1  }
0xc2: {  	s1 =	ssub.s32 @!p0 $0x0, s1;
	[sflag:s0] =	ssyncset.done @!p0 $0x0  }
0xc3: {  	[sflag:s0] =	ssyncadd.s32 @!p0 s1  }
0xc4: {  	[bflag:$0x3] =	sbarrier.arrive $0xFFFF  }
0xc5: {  	_ =	shalt  }

</sc_bundles>
